<compile_context>
chip_gen: v7x
topology: tpu7x:2x2x1
jax: 0.10.2.dev20260603
libtpu: 0.0.44.dev20260713+nightly
codegen_flags: <defaults>
</compile_context>

<pallas_src>
import functools

import jax
import jax.numpy as jnp
from jax import lax
from jax.experimental import pallas as pl
from jax.experimental.pallas import tpu as pltpu
from jax.experimental.pallas import tpu_sc as plsc

N_TOKENS = 16384
NUM_CODES = 8192
DIM = 64

N_BLK = 1024
K_BLK = 4096
N_GRID = N_TOKENS // N_BLK
K_GRID = NUM_CODES // K_BLK
GROUP = 4096
GROUP_BLKS = GROUP // K_BLK


LANES = 128
N_CHUNKS = K_BLK // LANES
N_SUB = 128


def _argmin_body(a2_ref, z_ref, e2_ref, b2_ref, idx_ref, best_val, best_idx):
    j = pl.program_id(1)
    z = z_ref[...]
    e2 = e2_ref[...]
    s = lax.dot_general(z, e2, (((1,), (1,)), ((), ())),
                        preferred_element_type=jnp.float32)
    dist = (a2_ref[...] + s) + b2_ref[...]
    v = dist[:, 0:LANES]
    c = jnp.zeros((N_BLK, LANES), jnp.int32)
    for t in range(1, N_CHUNKS):
        d_t = dist[:, t * LANES:(t + 1) * LANES]
        lt = d_t < v
        v = jnp.where(lt, d_t, v)
        c = jnp.where(lt, t, c)
    m = jnp.min(v, axis=1, keepdims=True)
    lane = lax.broadcasted_iota(jnp.int32, (N_BLK, LANES), 1)
    idx128 = c * LANES + lane + j * K_BLK
    amin = jnp.min(jnp.where(v == m, idx128, NUM_CODES), axis=1,
                   keepdims=True)

    @pl.when(j == 0)
    def _init():
        best_val[...] = m
        best_idx[...] = amin

    @pl.when(j > 0)
    def _update():
        better = m < best_val[...]
        best_val[...] = jnp.where(better, m, best_val[...])
        best_idx[...] = jnp.where(better, amin, best_idx[...])

    @pl.when(jnp.logical_and((j + 1) % GROUP_BLKS == 0, j != K_GRID - 1))
    def _round_group():
        best_val[...] = best_val[...].astype(jnp.bfloat16).astype(jnp.float32)

    @pl.when(j == K_GRID - 1)
    def _emit():
        idx_ref[...] = best_idx[...]


_argmin_call = pl.pallas_call(
    _argmin_body,
    grid=(N_GRID, K_GRID),
    in_specs=[
        pl.BlockSpec((N_BLK, 1), lambda i, j: (i, 0)),
        pl.BlockSpec((N_BLK, DIM), lambda i, j: (i, 0)),
        pl.BlockSpec((K_BLK, DIM), lambda i, j: (j, 0)),
        pl.BlockSpec((1, K_BLK), lambda i, j: (0, j)),
    ],
    out_specs=pl.BlockSpec((N_BLK, 1), lambda i, j: (i, 0)),
    out_shape=jax.ShapeDtypeStruct((N_TOKENS, 1), jnp.int32),
    scratch_shapes=[
        pltpu.VMEM((N_BLK, 1), jnp.float32),
        pltpu.VMEM((N_BLK, 1), jnp.int32),
    ],
    compiler_params=pltpu.CompilerParams(
        dimension_semantics=("parallel", "arbitrary")),
)


_NC = 2
_NS = 16
_NW = _NC * _NS
_B_PER_W = N_TOKENS // _NW


@functools.cache
def _build_gather_rows():
    @functools.partial(
        pl.kernel,
        mesh=plsc.VectorSubcoreMesh(core_axis_name="c", subcore_axis_name="s"),
        out_type=jax.ShapeDtypeStruct((N_TOKENS, DIM), jnp.float32),
        scratch_types=[
            pltpu.VMEM((_B_PER_W,), jnp.int32),
            pltpu.VMEM((_B_PER_W, DIM), jnp.float32),
            pltpu.SemaphoreType.DMA,
        ],
        compiler_params=pltpu.CompilerParams(use_tc_tiling_on_sc=False),
    )
    def _gather_rows(table_hbm, idx_hbm, out_hbm, idx_v, rows_v, sem):
        wid = lax.axis_index("s") * _NC + lax.axis_index("c")
        base = wid * _B_PER_W
        pltpu.sync_copy(idx_hbm.at[pl.ds(base, _B_PER_W)], idx_v)
        pltpu.async_copy(table_hbm.at[idx_v], rows_v, sem).wait()
        pltpu.sync_copy(rows_v, out_hbm.at[pl.ds(base, _B_PER_W)])

    return _gather_rows


def kernel(z_flat, embedding):
    a2 = jnp.sum(z_flat ** 2, axis=1, keepdims=True)
    b2 = jnp.sum(embedding ** 2, axis=1)
    z_bf = z_flat.astype(jnp.bfloat16)
    e2_bf = (embedding * jnp.float32(-2.0)).astype(jnp.bfloat16)
    idx2d = _argmin_call(a2, z_bf, e2_bf, b2.reshape(1, NUM_CODES))
    indices = idx2d.reshape(N_TOKENS)
    quantized = _build_gather_rows()(embedding, indices)
    return (quantized, indices)

# --- scband reference (transcript-rebuilt; emitter-appended) ---
"""Pipeline reference for scband-emacodebook-25589415150073 (READ-ONLY COPY).

The authoritative reference and input builder live on the scoring server;
editing this copy changes nothing except your own understanding.
"""

import jax, jax.numpy as jnp
import numpy as np

NUM_CODES = 8192
DIM = 64
N_TOKENS = 16384


def setup_inputs(seed: int = 0) -> dict:
    key = jax.random.key(seed)
    k1, k2 = jax.random.split(key)
    z_flat = jax.random.normal(k1, (N_TOKENS, DIM), dtype=jnp.float32)
    # learned/EMA codebook buffer, init as randn * 0.01 like the torch module
    embedding = jax.random.normal(k2, (NUM_CODES, DIM), dtype=jnp.float32) * 0.01
    return {"z_flat": z_flat, "embedding": embedding}


def reference(z_flat, embedding):
    # Nearest-neighbour lookup (EMACodebook.lookup)
    a2 = jnp.sum(z_flat ** 2, axis=1, keepdims=True)          # [N, 1]
    b2 = jnp.sum(embedding ** 2, axis=1)                       # [K]
    ab = z_flat @ embedding.T                                  # [N, K]
    dist = a2 - 2.0 * ab + b2[None, :]                         # [N, K]
    indices = jnp.argmin(dist, axis=1)                         # [N] int
    quantized = jnp.take(embedding, indices, axis=0)           # [N, D] gather
    return (quantized, indices)

if __name__ == "__main__":
    import jax
    _d = setup_inputs()
    print(jax.jit(kernel)(*tuple(_d.values())))

</pallas_src>

<mosaic_0001>
#map = affine_map<(d0, d1) -> (0, 0)>
#map1 = affine_map<(d0, d1) -> (0)>
module attributes {stable_mosaic.version = 14 : i64} {
  func.func @_gather_rows(%arg0: i32, %arg1: i32, %arg2: memref<8192x64xf32, #tpu.memory_space<hbm>>, %arg3: memref<16384xi32, #tpu.memory_space<hbm>>, %arg4: memref<16384x64xf32, #tpu.memory_space<hbm>>, %arg5: memref<512xi32, #tpu.memory_space<vmem>>, %arg6: memref<512x64xf32, #tpu.memory_space<vmem>>, %arg7: memref<!tpu.dma_semaphore, #tpu.memory_space<semaphore_mem>>) attributes {dimension_semantics = [#tpu.dimension_semantics<core_parallel>, #tpu.dimension_semantics<subcore_parallel>], iteration_bounds = array<i64: 2, 16>, scalar_prefetch = 0 : i64, scratch_operands = 3 : i64, tpu.core_type = #tpu.core_type<sc_vector_subcore>, window_params = [{transform_indices = #map}, {transform_indices = #map1}, {transform_indices = #map}]} {
    %mul3A = arith.constant 2 : i32
    %mul3A_0 = arith.muli %arg1, %mul3A : i32
    %add3A = arith.addi %mul3A_0, %arg0 : i32
    %mul3A_1 = arith.constant 512 : i32
    %mul3A_2 = arith.muli %add3A, %mul3A_1 : i32
    "tpu.region"() ({
      %run_scoped3A = tpu.sem_alloc : memref<!tpu.dma_semaphore, #tpu.memory_space<semaphore_mem>>
      %dma_start3A_7 = tpu.memref_slice %arg3[%mul3A_2] : memref<16384xi32, #tpu.memory_space<hbm>> -> memref<512xi32, #tpu.memory_space<hbm>>
      %dma_start3A_8 = tpu.memref_slice %arg3[%mul3A_2] : memref<16384xi32, #tpu.memory_space<hbm>> -> memref<512xi32, #tpu.memory_space<hbm>>
      tpu.enqueue_dma source(%dma_start3A_8 : memref<512xi32, #tpu.memory_space<hbm>>) target(%arg5 : memref<512xi32, #tpu.memory_space<vmem>>) target_semaphore(%run_scoped3A : memref<!tpu.dma_semaphore, #tpu.memory_space<semaphore_mem>>)
      %dma_wait3A_9 = tpu.memref_slice %arg3[%mul3A_2] : memref<16384xi32, #tpu.memory_space<hbm>> -> memref<512xi32, #tpu.memory_space<hbm>>
      %dma_wait3A_10 = tpu.memref_slice %arg3[%mul3A_2] : memref<16384xi32, #tpu.memory_space<hbm>> -> memref<512xi32, #tpu.memory_space<hbm>>
      tpu.wait_dma2 semaphore(%run_scoped3A : memref<!tpu.dma_semaphore, #tpu.memory_space<semaphore_mem>>) src(%dma_wait3A_10 : memref<512xi32, #tpu.memory_space<hbm>>) dst(%arg5 : memref<512xi32, #tpu.memory_space<vmem>>)
      tpu.yield
    }) : () -> ()
    %dma_start3A = arith.constant 0 : i32
    %dma_start3A_3 = arith.constant 0 : i32
    %dma_start3A_4 = tpu.memref_slice %arg2[%dma_start3A, %dma_start3A_3] : memref<8192x64xf32, #tpu.memory_space<hbm>> -> memref<8192x64xf32, #tpu.memory_space<hbm>>
    tpu.enqueue_indirect_dma source(%dma_start3A_4 : memref<8192x64xf32, #tpu.memory_space<hbm>>) target(%arg6 : memref<512x64xf32, #tpu.memory_space<vmem>>) offsets(%arg5 : memref<512xi32, #tpu.memory_space<vmem>>) semaphore(%arg7 : memref<!tpu.dma_semaphore, #tpu.memory_space<semaphore_mem>>)
    %dma_wait3A = arith.constant 0 : i32
    %dma_wait3A_5 = arith.constant 0 : i32
    %dma_wait3A_6 = tpu.memref_slice %arg2[%dma_wait3A, %dma_wait3A_5] : memref<8192x64xf32, #tpu.memory_space<hbm>> -> memref<8192x64xf32, #tpu.memory_space<hbm>>
    tpu.wait_indirect_dma semaphore(%arg7 : memref<!tpu.dma_semaphore, #tpu.memory_space<semaphore_mem>>) src(%dma_wait3A_6 : memref<8192x64xf32, #tpu.memory_space<hbm>>) dst(%arg6 : memref<512x64xf32, #tpu.memory_space<vmem>>)
    "tpu.region"() ({
      %run_scoped3A = tpu.sem_alloc : memref<!tpu.dma_semaphore, #tpu.memory_space<semaphore_mem>>
      %dma_start3A_7 = arith.constant 0 : i32
      %dma_start3A_8 = tpu.memref_slice %arg4[%mul3A_2, %dma_start3A_7] : memref<16384x64xf32, #tpu.memory_space<hbm>> -> memref<512x64xf32, #tpu.memory_space<hbm>>
      %dma_start3A_9 = arith.constant 0 : i32
      %dma_start3A_10 = tpu.memref_slice %arg4[%mul3A_2, %dma_start3A_9] : memref<16384x64xf32, #tpu.memory_space<hbm>> -> memref<512x64xf32, #tpu.memory_space<hbm>>
      tpu.enqueue_dma source(%arg6 : memref<512x64xf32, #tpu.memory_space<vmem>>) target(%dma_start3A_10 : memref<512x64xf32, #tpu.memory_space<hbm>>) target_semaphore(%run_scoped3A : memref<!tpu.dma_semaphore, #tpu.memory_space<semaphore_mem>>)
      %dma_wait3A_11 = arith.constant 0 : i32
      %dma_wait3A_12 = tpu.memref_slice %arg4[%mul3A_2, %dma_wait3A_11] : memref<16384x64xf32, #tpu.memory_space<hbm>> -> memref<512x64xf32, #tpu.memory_space<hbm>>
      %dma_wait3A_13 = arith.constant 0 : i32
      %dma_wait3A_14 = tpu.memref_slice %arg4[%mul3A_2, %dma_wait3A_13] : memref<16384x64xf32, #tpu.memory_space<hbm>> -> memref<512x64xf32, #tpu.memory_space<hbm>>
      tpu.wait_dma2 semaphore(%run_scoped3A : memref<!tpu.dma_semaphore, #tpu.memory_space<semaphore_mem>>) src(%arg6 : memref<512x64xf32, #tpu.memory_space<vmem>>) dst(%dma_wait3A_14 : memref<512x64xf32, #tpu.memory_space<hbm>>)
      tpu.yield
    }) : () -> ()
    return
  }
}

module attributes {stable_mosaic.version = 14 : i64} {
  func.func @_argmin_body(%arg0: i32, %arg1: i32, %arg2: memref<1024x1xf32, #tpu.memory_space<vmem>>, %arg3: memref<1024x64xbf16, #tpu.memory_space<vmem>>, %arg4: memref<4096x64xbf16, #tpu.memory_space<vmem>>, %arg5: memref<1x4096xf32, #tpu.memory_space<vmem>>, %arg6: memref<1024x1xi32, #tpu.memory_space<vmem>>, %arg7: memref<1024x1xf32, #tpu.memory_space<vmem>>, %arg8: memref<1024x1xi32, #tpu.memory_space<vmem>>) attributes {dimension_semantics = [#tpu.dimension_semantics<parallel>, #tpu.dimension_semantics<arbitrary>], iteration_bounds = array<i64: 16, 2>, scalar_prefetch = 0 : i64, scratch_operands = 2 : i64, tpu.core_type = #tpu.core_type<tc>, window_params = [{transform_indices = @transform_0, window_bounds = array<i64: 1024, 1>}, {transform_indices = @transform_1, window_bounds = array<i64: 1024, 64>}, {transform_indices = @transform_2, window_bounds = array<i64: 4096, 64>}, {transform_indices = @transform_3, window_bounds = array<i64: 1, 4096>}, {transform_indices = @transform_4, window_bounds = array<i64: 1024, 1>}]} {
    %get3A = arith.constant 0 : index
    %get3A_0 = arith.constant 0 : index
    %get3A_1 = vector.load %arg3[%get3A, %get3A_0] : memref<1024x64xbf16, #tpu.memory_space<vmem>>, vector<1024x64xbf16>
    %get3A_2 = arith.constant 0 : index
    %get3A_3 = arith.constant 0 : index
    %get3A_4 = vector.load %arg4[%get3A_2, %get3A_3] : memref<4096x64xbf16, #tpu.memory_space<vmem>>, vector<4096x64xbf16>
    %dot_general3A = arith.constant dense<0.000000e+00> : vector<1024x4096xf32>
    %dot_general3A_5 = tpu.matmul %get3A_1, %get3A_4, %dot_general3A {dimension_numbers = #tpu.dot_dimension_numbers<[1], [1], [0], [0], [0, 0, 1, 0], [], []>, transpose_lhs_hint = false} : vector<1024x64xbf16>, vector<4096x64xbf16>, vector<1024x4096xf32> -> vector<1024x4096xf32>
    %get3A_6 = arith.constant 0 : index
    %get3A_7 = arith.constant 0 : index
    %get3A_8 = vector.load %arg2[%get3A_6, %get3A_7] : memref<1024x1xf32, #tpu.memory_space<vmem>>, vector<1024x1xf32>
    %add3A = vector.broadcast %get3A_8 : vector<1024x1xf32> to vector<1024x4096xf32>
    %add3A_9 = arith.addf %add3A, %dot_general3A_5 : vector<1024x4096xf32>
    %get3A_10 = arith.constant 0 : index
    %get3A_11 = arith.constant 0 : index
    %get3A_12 = vector.load %arg5[%get3A_10, %get3A_11] : memref<1x4096xf32, #tpu.memory_space<vmem>>, vector<1x4096xf32>
    %add3A_13 = vector.broadcast %get3A_12 : vector<1x4096xf32> to vector<1024x4096xf32>
    %add3A_14 = arith.addf %add3A_9, %add3A_13 : vector<1024x4096xf32>
    %slice3A = vector.extract_strided_slice %add3A_14 {offsets = [0, 0], sizes = [1024, 128], strides = [1, 1]} : vector<1024x4096xf32> to vector<1024x128xf32>
    %broadcast_in_dim3A = arith.constant 0 : i32
    %broadcast_in_dim3A_15 = vector.broadcast %broadcast_in_dim3A : i32 to vector<1024x128xi32>
    %slice3A_16 = vector.extract_strided_slice %add3A_14 {offsets = [0, 128], sizes = [1024, 128], strides = [1, 1]} : vector<1024x4096xf32> to vector<1024x128xf32>
    %lt3A = arith.cmpf olt, %slice3A_16, %slice3A : vector<1024x128xf32>
    %select_n3A = arith.select %lt3A, %slice3A_16, %slice3A : vector<1024x128xi1>, vector<1024x128xf32>
    %jit3A = arith.constant 1 : i32
    %broadcast_in_dim3A_17 = vector.broadcast %jit3A : i32 to vector<1024x128xi32>
    %select_n3A_18 = arith.select %lt3A, %broadcast_in_dim3A_17, %broadcast_in_dim3A_15 : vector<1024x128xi1>, vector<1024x128xi32>
    %slice3A_19 = vector.extract_strided_slice %add3A_14 {offsets = [0, 256], sizes = [1024, 128], strides = [1, 1]} : vector<1024x4096xf32> to vector<1024x128xf32>
    %lt3A_20 = arith.cmpf olt, %slice3A_19, %select_n3A : vector<1024x128xf32>
    %select_n3A_21 = arith.select %lt3A_20, %slice3A_19, %select_n3A : vector<1024x128xi1>, vector<1024x128xf32>
    %jit3A_22 = arith.constant 2 : i32
    %broadcast_in_dim3A_23 = vector.broadcast %jit3A_22 : i32 to vector<1024x128xi32>
    %select_n3A_24 = arith.select %lt3A_20, %broadcast_in_dim3A_23, %select_n3A_18 : vector<1024x128xi1>, vector<1024x128xi32>
    %slice3A_25 = vector.extract_strided_slice %add3A_14 {offsets = [0, 384], sizes = [1024, 128], strides = [1, 1]} : vector<1024x4096xf32> to vector<1024x128xf32>
    %lt3A_26 = arith.cmpf olt, %slice3A_25, %select_n3A_21 : vector<1024x128xf32>
    %select_n3A_27 = arith.select %lt3A_26, %slice3A_25, %select_n3A_21 : vector<1024x128xi1>, vector<1024x128xf32>
    %jit3A_28 = arith.constant 3 : i32
    %broadcast_in_dim3A_29 = vector.broadcast %jit3A_28 : i32 to vector<1024x128xi32>
    %select_n3A_30 = arith.select %lt3A_26, %broadcast_in_dim3A_29, %select_n3A_24 : vector<1024x128xi1>, vector<1024x128xi32>
    %slice3A_31 = vector.extract_strided_slice %add3A_14 {offsets = [0, 512], sizes = [1024, 128], strides = [1, 1]} : vector<1024x4096xf32> to vector<1024x128xf32>
    %lt3A_32 = arith.cmpf olt, %slice3A_31, %select_n3A_27 : vector<1024x128xf32>
    %select_n3A_33 = arith.select %lt3A_32, %slice3A_31, %select_n3A_27 : vector<1024x128xi1>, vector<1024x128xf32>
    %jit3A_34 = arith.constant 4 : i32
    %broadcast_in_dim3A_35 = vector.broadcast %jit3A_34 : i32 to vector<1024x128xi32>
    %select_n3A_36 = arith.select %lt3A_32, %broadcast_in_dim3A_35, %select_n3A_30 : vector<1024x128xi1>, vector<1024x128xi32>
    %slice3A_37 = vector.extract_strided_slice %add3A_14 {offsets = [0, 640], sizes = [1024, 128], strides = [1, 1]} : vector<1024x4096xf32> to vector<1024x128xf32>
    %lt3A_38 = arith.cmpf olt, %slice3A_37, %select_n3A_33 : vector<1024x128xf32>
    %select_n3A_39 = arith.select %lt3A_38, %slice3A_37, %select_n3A_33 : vector<1024x128xi1>, vector<1024x128xf32>
    %jit3A_40 = arith.constant 5 : i32
    %broadcast_in_dim3A_41 = vector.broadcast %jit3A_40 : i32 to vector<1024x128xi32>
    %select_n3A_42 = arith.select %lt3A_38, %broadcast_in_dim3A_41, %select_n3A_36 : vector<1024x128xi1>, vector<1024x128xi32>
    %slice3A_43 = vector.extract_strided_slice %add3A_14 {offsets = [0, 768], sizes = [1024, 128], strides = [1, 1]} : vector<1024x4096xf32> to vector<1024x128xf32>
    %lt3A_44 = arith.cmpf olt, %slice3A_43, %select_n3A_39 : vector<1024x128xf32>
    %select_n3A_45 = arith.select %lt3A_44, %slice3A_43, %select_n3A_39 : vector<1024x128xi1>, vector<1024x128xf32>
    %jit3A_46 = arith.constant 6 : i32
    %broadcast_in_dim3A_47 = vector.broadcast %jit3A_46 : i32 to vector<1024x128xi32>
    %select_n3A_48 = arith.select %lt3A_44, %broadcast_in_dim3A_47, %select_n3A_42 : vector<1024x128xi1>, vector<1024x128xi32>
    %slice3A_49 = vector.extract_strided_slice %add3A_14 {offsets = [0, 896], sizes = [1024, 128], strides = [1, 1]} : vector<1024x4096xf32> to vector<1024x128xf32>
    %lt3A_50 = arith.cmpf olt, %slice3A_49, %select_n3A_45 : vector<1024x128xf32>
    %select_n3A_51 = arith.select %lt3A_50, %slice3A_49, %select_n3A_45 : vector<1024x128xi1>, vector<1024x128xf32>
    %jit3A_52 = arith.constant 7 : i32
    %broadcast_in_dim3A_53 = vector.broadcast %jit3A_52 : i32 to vector<1024x128xi32>
    %select_n3A_54 = arith.select %lt3A_50, %broadcast_in_dim3A_53, %select_n3A_48 : vector<1024x128xi1>, vector<1024x128xi32>
    %slice3A_55 = vector.extract_strided_slice %add3A_14 {offsets = [0, 1024], sizes = [1024, 128], strides = [1, 1]} : vector<1024x4096xf32> to vector<1024x128xf32>
    %lt3A_56 = arith.cmpf olt, %slice3A_55, %select_n3A_51 : vector<1024x128xf32>
    %select_n3A_57 = arith.select %lt3A_56, %slice3A_55, %select_n3A_51 : vector<1024x128xi1>, vector<1024x128xf32>
    %jit3A_58 = arith.constant 8 : i32
    %broadcast_in_dim3A_59 = vector.broadcast %jit3A_58 : i32 to vector<1024x128xi32>
    %select_n3A_60 = arith.select %lt3A_56, %broadcast_in_dim3A_59, %select_n3A_54 : vector<1024x128xi1>, vector<1024x128xi32>
    %slice3A_61 = vector.extract_strided_slice %add3A_14 {offsets = [0, 1152], sizes = [1024, 128], strides = [1, 1]} : vector<1024x4096xf32> to vector<1024x128xf32>
    %lt3A_62 = arith.cmpf olt, %slice3A_61, %select_n3A_57 : vector<1024x128xf32>
    %select_n3A_63 = arith.select %lt3A_62, %slice3A_61, %select_n3A_57 : vector<1024x128xi1>, vector<1024x128xf32>
    %jit3A_64 = arith.constant 9 : i32
    %broadcast_in_dim3A_65 = vector.broadcast %jit3A_64 : i32 to vector<1024x128xi32>
    %select_n3A_66 = arith.select %lt3A_62, %broadcast_in_dim3A_65, %select_n3A_60 : vector<1024x128xi1>, vector<1024x128xi32>
    %slice3A_67 = vector.extract_strided_slice %add3A_14 {offsets = [0, 1280], sizes = [1024, 128], strides = [1, 1]} : vector<1024x4096xf32> to vector<1024x128xf32>
    %lt3A_68 = arith.cmpf olt, %slice3A_67, %select_n3A_63 : vector<1024x128xf32>
    %select_n3A_69 = arith.select %lt3A_68, %slice3A_67, %select_n3A_63 : vector<1024x128xi1>, vector<1024x128xf32>
    %jit3A_70 = arith.constant 10 : i32
    %broadcast_in_dim3A_71 = vector.broadcast %jit3A_70 : i32 to vector<1024x128xi32>
    %select_n3A_72 = arith.select %lt3A_68, %broadcast_in_dim3A_71, %select_n3A_66 : vector<1024x128xi1>, vector<1024x128xi32>
    %slice3A_73 = vector.extract_strided_slice %add3A_14 {offsets = [0, 1408], sizes = [1024, 128], strides = [1, 1]} : vector<1024x4096xf32> to vector<1024x128xf32>
    %lt3A_74 = arith.cmpf olt, %slice3A_73, %select_n3A_69 : vector<1024x128xf32>
    %select_n3A_75 = arith.select %lt3A_74, %slice3A_73, %select_n3A_69 : vector<1024x128xi1>, vector<1024x128xf32>
    %jit3A_76 = arith.constant 11 : i32
    %broadcast_in_dim3A_77 = vector.broadcast %jit3A_76 : i32 to vector<1024x128xi32>
    %select_n3A_78 = arith.select %lt3A_74, %broadcast_in_dim3A_77, %select_n3A_72 : vector<1024x128xi1>, vector<1024x128xi32>
    %slice3A_79 = vector.extract_strided_slice %add3A_14 {offsets = [0, 1536], sizes = [1024, 128], strides = [1, 1]} : vector<1024x4096xf32> to vector<1024x128xf32>
    %lt3A_80 = arith.cmpf olt, %slice3A_79, %select_n3A_75 : vector<1024x128xf32>
    %select_n3A_81 = arith.select %lt3A_80, %slice3A_79, %select_n3A_75 : vector<1024x128xi1>, vector<1024x128xf32>
    %jit3A_82 = arith.constant 12 : i32
    %broadcast_in_dim3A_83 = vector.broadcast %jit3A_82 : i32 to vector<1024x128xi32>
    %select_n3A_84 = arith.select %lt3A_80, %broadcast_in_dim3A_83, %select_n3A_78 : vector<1024x128xi1>, vector<1024x128xi32>
    %slice3A_85 = vector.extract_strided_slice %add3A_14 {offsets = [0, 1664], sizes = [1024, 128], strides = [1, 1]} : vector<1024x4096xf32> to vector<1024x128xf32>
    %lt3A_86 = arith.cmpf olt, %slice3A_85, %select_n3A_81 : vector<1024x128xf32>
    %select_n3A_87 = arith.select %lt3A_86, %slice3A_85, %select_n3A_81 : vector<1024x128xi1>, vector<1024x128xf32>
    %jit3A_88 = arith.constant 13 : i32
    %broadcast_in_dim3A_89 = vector.broadcast %jit3A_88 : i32 to vector<1024x128xi32>
    %select_n3A_90 = arith.select %lt3A_86, %broadcast_in_dim3A_89, %select_n3A_84 : vector<1024x128xi1>, vector<1024x128xi32>
    %slice3A_91 = vector.extract_strided_slice %add3A_14 {offsets = [0, 1792], sizes = [1024, 128], strides = [1, 1]} : vector<1024x4096xf32> to vector<1024x128xf32>
    %lt3A_92 = arith.cmpf olt, %slice3A_91, %select_n3A_87 : vector<1024x128xf32>
    %select_n3A_93 = arith.select %lt3A_92, %slice3A_91, %select_n3A_87 : vector<1024x128xi1>, vector<1024x128xf32>
    %jit3A_94 = arith.constant 14 : i32
    %broadcast_in_dim3A_95 = vector.broadcast %jit3A_94 : i32 to vector<1024x128xi32>
    %select_n3A_96 = arith.select %lt3A_92, %broadcast_in_dim3A_95, %select_n3A_90 : vector<1024x128xi1>, vector<1024x128xi32>
    %slice3A_97 = vector.extract_strided_slice %add3A_14 {offsets = [0, 1920], sizes = [1024, 128], strides = [1, 1]} : vector<1024x4096xf32> to vector<1024x128xf32>
    %lt3A_98 = arith.cmpf olt, %slice3A_97, %select_n3A_93 : vector<1024x128xf32>
    %select_n3A_99 = arith.select %lt3A_98, %slice3A_97, %select_n3A_93 : vector<1024x128xi1>, vector<1024x128xf32>
    %jit3A_100 = arith.constant 15 : i32
    %broadcast_in_dim3A_101 = vector.broadcast %jit3A_100 : i32 to vector<1024x128xi32>
    %select_n3A_102 = arith.select %lt3A_98, %broadcast_in_dim3A_101, %select_n3A_96 : vector<1024x128xi1>, vector<1024x128xi32>
    %slice3A_103 = vector.extract_strided_slice %add3A_14 {offsets = [0, 2048], sizes = [1024, 128], strides = [1, 1]} : vector<1024x4096xf32> to vector<1024x128xf32>
    %lt3A_104 = arith.cmpf olt, %slice3A_103, %select_n3A_99 : vector<1024x128xf32>
    %select_n3A_105 = arith.select %lt3A_104, %slice3A_103, %select_n3A_99 : vector<1024x128xi1>, vector<1024x128xf32>
    %jit3A_106 = arith.constant 16 : i32
    %broadcast_in_dim3A_107 = vector.broadcast %jit3A_106 : i32 to vector<1024x128xi32>
    %select_n3A_108 = arith.select %lt3A_104, %broadcast_in_dim3A_107, %select_n3A_102 : vector<1024x128xi1>, vector<1024x128xi32>
    %slice3A_109 = vector.extract_strided_slice %add3A_14 {offsets = [0, 2176], sizes = [1024, 128], strides = [1, 1]} : vector<1024x4096xf32> to vector<1024x128xf32>
    %lt3A_110 = arith.cmpf olt, %slice3A_109, %select_n3A_105 : vector<1024x128xf32>
    %select_n3A_111 = arith.select %lt3A_110, %slice3A_109, %select_n3A_105 : vector<1024x128xi1>, vector<1024x128xf32>
    %jit3A_112 = arith.constant 17 : i32
    %broadcast_in_dim3A_113 = vector.broadcast %jit3A_112 : i32 to vector<1024x128xi32>
    %select_n3A_114 = arith.select %lt3A_110, %broadcast_in_dim3A_113, %select_n3A_108 : vector<1024x128xi1>, vector<1024x128xi32>
    %slice3A_115 = vector.extract_strided_slice %add3A_14 {offsets = [0, 2304], sizes = [1024, 128], strides = [1, 1]} : vector<1024x4096xf32> to vector<1024x128xf32>
    %lt3A_116 = arith.cmpf olt, %slice3A_115, %select_n3A_111 : vector<1024x128xf32>
    %select_n3A_117 = arith.select %lt3A_116, %slice3A_115, %select_n3A_111 : vector<1024x128xi1>, vector<1024x128xf32>
    %jit3A_118 = arith.constant 18 : i32
    %broadcast_in_dim3A_119 = vector.broadcast %jit3A_118 : i32 to vector<1024x128xi32>
    %select_n3A_120 = arith.select %lt3A_116, %broadcast_in_dim3A_119, %select_n3A_114 : vector<1024x128xi1>, vector<1024x128xi32>
    %slice3A_121 = vector.extract_strided_slice %add3A_14 {offsets = [0, 2432], sizes = [1024, 128], strides = [1, 1]} : vector<1024x4096xf32> to vector<1024x128xf32>
    %lt3A_122 = arith.cmpf olt, %slice3A_121, %select_n3A_117 : vector<1024x128xf32>
    %select_n3A_123 = arith.select %lt3A_122, %slice3A_121, %select_n3A_117 : vector<1024x128xi1>, vector<1024x128xf32>
    %jit3A_124 = arith.constant 19 : i32
    %broadcast_in_dim3A_125 = vector.broadcast %jit3A_124 : i32 to vector<1024x128xi32>
    %select_n3A_126 = arith.select %lt3A_122, %broadcast_in_dim3A_125, %select_n3A_120 : vector<1024x128xi1>, vector<1024x128xi32>
    %slice3A_127 = vector.extract_strided_slice %add3A_14 {offsets = [0, 2560], sizes = [1024, 128], strides = [1, 1]} : vector<1024x4096xf32> to vector<1024x128xf32>
    %lt3A_128 = arith.cmpf olt, %slice3A_127, %select_n3A_123 : vector<1024x128xf32>
    %select_n3A_129 = arith.select %lt3A_128, %slice3A_127, %select_n3A_123 : vector<1024x128xi1>, vector<1024x128xf32>
    %jit3A_130 = arith.constant 20 : i32
    %broadcast_in_dim3A_131 = vector.broadcast %jit3A_130 : i32 to vector<1024x128xi32>
    %select_n3A_132 = arith.select %lt3A_128, %broadcast_in_dim3A_131, %select_n3A_126 : vector<1024x128xi1>, vector<1024x128xi32>
    %slice3A_133 = vector.extract_strided_slice %add3A_14 {offsets = [0, 2688], sizes = [1024, 128], strides = [1, 1]} : vector<1024x4096xf32> to vector<1024x128xf32>
    %lt3A_134 = arith.cmpf olt, %slice3A_133, %select_n3A_129 : vector<1024x128xf32>
    %select_n3A_135 = arith.select %lt3A_134, %slice3A_133, %select_n3A_129 : vector<1024x128xi1>, vector<1024x128xf32>
    %jit3A_136 = arith.constant 21 : i32
    %broadcast_in_dim3A_137 = vector.broadcast %jit3A_136 : i32 to vector<1024x128xi32>
    %select_n3A_138 = arith.select %lt3A_134, %broadcast_in_dim3A_137, %select_n3A_132 : vector<1024x128xi1>, vector<1024x128xi32>
    %slice3A_139 = vector.extract_strided_slice %add3A_14 {offsets = [0, 2816], sizes = [1024, 128], strides = [1, 1]} : vector<1024x4096xf32> to vector<1024x128xf32>
    %lt3A_140 = arith.cmpf olt, %slice3A_139, %select_n3A_135 : vector<1024x128xf32>
    %select_n3A_141 = arith.select %lt3A_140, %slice3A_139, %select_n3A_135 : vector<1024x128xi1>, vector<1024x128xf32>
    %jit3A_142 = arith.constant 22 : i32
    %broadcast_in_dim3A_143 = vector.broadcast %jit3A_142 : i32 to vector<1024x128xi32>
    %select_n3A_144 = arith.select %lt3A_140, %broadcast_in_dim3A_143, %select_n3A_138 : vector<1024x128xi1>, vector<1024x128xi32>
    %slice3A_145 = vector.extract_strided_slice %add3A_14 {offsets = [0, 2944], sizes = [1024, 128], strides = [1, 1]} : vector<1024x4096xf32> to vector<1024x128xf32>
    %lt3A_146 = arith.cmpf olt, %slice3A_145, %select_n3A_141 : vector<1024x128xf32>
    %select_n3A_147 = arith.select %lt3A_146, %slice3A_145, %select_n3A_141 : vector<1024x128xi1>, vector<1024x128xf32>
    %jit3A_148 = arith.constant 23 : i32
    %broadcast_in_dim3A_149 = vector.broadcast %jit3A_148 : i32 to vector<1024x128xi32>
    %select_n3A_150 = arith.select %lt3A_146, %broadcast_in_dim3A_149, %select_n3A_144 : vector<1024x128xi1>, vector<1024x128xi32>
    %slice3A_151 = vector.extract_strided_slice %add3A_14 {offsets = [0, 3072], sizes = [1024, 128], strides = [1, 1]} : vector<1024x4096xf32> to vector<1024x128xf32>
    %lt3A_152 = arith.cmpf olt, %slice3A_151, %select_n3A_147 : vector<1024x128xf32>
    %select_n3A_153 = arith.select %lt3A_152, %slice3A_151, %select_n3A_147 : vector<1024x128xi1>, vector<1024x128xf32>
    %jit3A_154 = arith.constant 24 : i32
    %broadcast_in_dim3A_155 = vector.broadcast %jit3A_154 : i32 to vector<1024x128xi32>
    %select_n3A_156 = arith.select %lt3A_152, %broadcast_in_dim3A_155, %select_n3A_150 : vector<1024x128xi1>, vector<1024x128xi32>
    %slice3A_157 = vector.extract_strided_slice %add3A_14 {offsets = [0, 3200], sizes = [1024, 128], strides = [1, 1]} : vector<1024x4096xf32> to vector<1024x128xf32>
    %lt3A_158 = arith.cmpf olt, %slice3A_157, %select_n3A_153 : vector<1024x128xf32>
    %select_n3A_159 = arith.select %lt3A_158, %slice3A_157, %select_n3A_153 : vector<1024x128xi1>, vector<1024x128xf32>
    %jit3A_160 = arith.constant 25 : i32
    %broadcast_in_dim3A_161 = vector.broadcast %jit3A_160 : i32 to vector<1024x128xi32>
    %select_n3A_162 = arith.select %lt3A_158, %broadcast_in_dim3A_161, %select_n3A_156 : vector<1024x128xi1>, vector<1024x128xi32>
    %slice3A_163 = vector.extract_strided_slice %add3A_14 {offsets = [0, 3328], sizes = [1024, 128], strides = [1, 1]} : vector<1024x4096xf32> to vector<1024x128xf32>
    %lt3A_164 = arith.cmpf olt, %slice3A_163, %select_n3A_159 : vector<1024x128xf32>
    %select_n3A_165 = arith.select %lt3A_164, %slice3A_163, %select_n3A_159 : vector<1024x128xi1>, vector<1024x128xf32>
    %jit3A_166 = arith.constant 26 : i32
    %broadcast_in_dim3A_167 = vector.broadcast %jit3A_166 : i32 to vector<1024x128xi32>
    %select_n3A_168 = arith.select %lt3A_164, %broadcast_in_dim3A_167, %select_n3A_162 : vector<1024x128xi1>, vector<1024x128xi32>
    %slice3A_169 = vector.extract_strided_slice %add3A_14 {offsets = [0, 3456], sizes = [1024, 128], strides = [1, 1]} : vector<1024x4096xf32> to vector<1024x128xf32>
    %lt3A_170 = arith.cmpf olt, %slice3A_169, %select_n3A_165 : vector<1024x128xf32>
    %select_n3A_171 = arith.select %lt3A_170, %slice3A_169, %select_n3A_165 : vector<1024x128xi1>, vector<1024x128xf32>
    %jit3A_172 = arith.constant 27 : i32
    %broadcast_in_dim3A_173 = vector.broadcast %jit3A_172 : i32 to vector<1024x128xi32>
    %select_n3A_174 = arith.select %lt3A_170, %broadcast_in_dim3A_173, %select_n3A_168 : vector<1024x128xi1>, vector<1024x128xi32>
    %slice3A_175 = vector.extract_strided_slice %add3A_14 {offsets = [0, 3584], sizes = [1024, 128], strides = [1, 1]} : vector<1024x4096xf32> to vector<1024x128xf32>
    %lt3A_176 = arith.cmpf olt, %slice3A_175, %select_n3A_171 : vector<1024x128xf32>
    %select_n3A_177 = arith.select %lt3A_176, %slice3A_175, %select_n3A_171 : vector<1024x128xi1>, vector<1024x128xf32>
    %jit3A_178 = arith.constant 28 : i32
    %broadcast_in_dim3A_179 = vector.broadcast %jit3A_178 : i32 to vector<1024x128xi32>
    %select_n3A_180 = arith.select %lt3A_176, %broadcast_in_dim3A_179, %select_n3A_174 : vector<1024x128xi1>, vector<1024x128xi32>
    %slice3A_181 = vector.extract_strided_slice %add3A_14 {offsets = [0, 3712], sizes = [1024, 128], strides = [1, 1]} : vector<1024x4096xf32> to vector<1024x128xf32>
    %lt3A_182 = arith.cmpf olt, %slice3A_181, %select_n3A_177 : vector<1024x128xf32>
    %select_n3A_183 = arith.select %lt3A_182, %slice3A_181, %select_n3A_177 : vector<1024x128xi1>, vector<1024x128xf32>
    %jit3A_184 = arith.constant 29 : i32
    %broadcast_in_dim3A_185 = vector.broadcast %jit3A_184 : i32 to vector<1024x128xi32>
    %select_n3A_186 = arith.select %lt3A_182, %broadcast_in_dim3A_185, %select_n3A_180 : vector<1024x128xi1>, vector<1024x128xi32>
    %slice3A_187 = vector.extract_strided_slice %add3A_14 {offsets = [0, 3840], sizes = [1024, 128], strides = [1, 1]} : vector<1024x4096xf32> to vector<1024x128xf32>
    %lt3A_188 = arith.cmpf olt, %slice3A_187, %select_n3A_183 : vector<1024x128xf32>
    %select_n3A_189 = arith.select %lt3A_188, %slice3A_187, %select_n3A_183 : vector<1024x128xi1>, vector<1024x128xf32>
    %jit3A_190 = arith.constant 30 : i32
    %broadcast_in_dim3A_191 = vector.broadcast %jit3A_190 : i32 to vector<1024x128xi32>
    %select_n3A_192 = arith.select %lt3A_188, %broadcast_in_dim3A_191, %select_n3A_186 : vector<1024x128xi1>, vector<1024x128xi32>
    %slice3A_193 = vector.extract_strided_slice %add3A_14 {offsets = [0, 3968], sizes = [1024, 128], strides = [1, 1]} : vector<1024x4096xf32> to vector<1024x128xf32>
    %lt3A_194 = arith.cmpf olt, %slice3A_193, %select_n3A_189 : vector<1024x128xf32>
    %select_n3A_195 = arith.select %lt3A_194, %slice3A_193, %select_n3A_189 : vector<1024x128xi1>, vector<1024x128xf32>
    %jit3A_196 = arith.constant 31 : i32
    %broadcast_in_dim3A_197 = vector.broadcast %jit3A_196 : i32 to vector<1024x128xi32>
    %select_n3A_198 = arith.select %lt3A_194, %broadcast_in_dim3A_197, %select_n3A_192 : vector<1024x128xi1>, vector<1024x128xi32>
    %reduce_min3A = arith.constant dense<0x7F800000> : vector<1024xf32>
    %reduce_min3A_199 = vector.multi_reduction <minimumf>, %select_n3A_195, %reduce_min3A [1] : vector<1024x128xf32> to vector<1024xf32>
    %broadcast_in_dim3A_200 = vector.shape_cast %reduce_min3A_199 : vector<1024xf32> to vector<1024x1xf32>
    %iota3A = tpu.iota {dimensions = array<i32: 1>} : vector<1024x128xi32>
    %mul3A = arith.constant 128 : i32
    %mul3A_201 = vector.broadcast %mul3A : i32 to vector<1024x128xi32>
    %mul3A_202 = arith.muli %select_n3A_198, %mul3A_201 : vector<1024x128xi32>
    %add3A_203 = arith.addi %mul3A_202, %iota3A : vector<1024x128xi32>
    %mul3A_204 = arith.constant 4096 : i32
    %mul3A_205 = arith.muli %arg1, %mul3A_204 : i32
    %add3A_206 = vector.broadcast %mul3A_205 : i32 to vector<1024x128xi32>
    %add3A_207 = arith.addi %add3A_203, %add3A_206 : vector<1024x128xi32>
    %eq3A = vector.broadcast %broadcast_in_dim3A_200 : vector<1024x1xf32> to vector<1024x128xf32>
    %eq3A_208 = arith.cmpf oeq, %select_n3A_195, %eq3A : vector<1024x128xf32>
    %jit3A_209 = arith.constant 8192 : i32
    %broadcast_in_dim3A_210 = vector.broadcast %jit3A_209 : i32 to vector<1024x128xi32>
    %select_n3A_211 = arith.select %eq3A_208, %add3A_207, %broadcast_in_dim3A_210 : vector<1024x128xi1>, vector<1024x128xi32>
    %reduce_min3A_212 = arith.constant dense<2147483647> : vector<1024xi32>
    %reduce_min3A_213 = vector.multi_reduction <minsi>, %select_n3A_211, %reduce_min3A_212 [1] : vector<1024x128xi32> to vector<1024xi32>
    %broadcast_in_dim3A_214 = vector.shape_cast %reduce_min3A_213 : vector<1024xi32> to vector<1024x1xi32>
    %eq3A_215 = arith.constant 0 : i32
    %eq3A_216 = arith.cmpi eq, %arg1, %eq3A_215 : i32
    %convert_element_type3A = arith.extui %eq3A_216 : i1 to i32
    %cond3A = arith.constant 0 : i32
    %cond3A_217 = arith.cmpi ne, %convert_element_type3A, %cond3A : i32
    scf.if %cond3A_217 {
      %swap3A = arith.constant 0 : index
      %swap3A_250 = arith.constant 0 : index
      %swap3A_251 = vector.load %arg7[%swap3A, %swap3A_250] : memref<1024x1xf32, #tpu.memory_space<vmem>>, vector<1024x1xf32>
      tpu.vector_store %arg7[%swap3A, %swap3A_250], %broadcast_in_dim3A_200 {strides = array<i32>} : memref<1024x1xf32, #tpu.memory_space<vmem>>, vector<1024x1xf32>,
      %swap3A_252 = arith.constant 0 : index
      %swap3A_253 = arith.constant 0 : index
      %swap3A_254 = vector.load %arg8[%swap3A_252, %swap3A_253] : memref<1024x1xi32, #tpu.memory_space<vmem>>, vector<1024x1xi32>
      tpu.vector_store %arg8[%swap3A_252, %swap3A_253], %broadcast_in_dim3A_214 {strides = array<i32>} : memref<1024x1xi32, #tpu.memory_space<vmem>>, vector<1024x1xi32>,
    } else {
    }
    %gt3A = arith.constant 0 : i32
    %gt3A_218 = arith.cmpi sgt, %arg1, %gt3A : i32
    %convert_element_type3A_219 = arith.extui %gt3A_218 : i1 to i32
    %cond3A_220 = arith.constant 0 : i32
    %cond3A_221 = arith.cmpi ne, %convert_element_type3A_219, %cond3A_220 : i32
    scf.if %cond3A_221 {
      %get3A_250 = arith.constant 0 : index
      %get3A_251 = arith.constant 0 : index
      %get3A_252 = vector.load %arg7[%get3A_250, %get3A_251] : memref<1024x1xf32, #tpu.memory_space<vmem>>, vector<1024x1xf32>
      %lt3A_253 = arith.cmpf olt, %broadcast_in_dim3A_200, %get3A_252 : vector<1024x1xf32>
      %get3A_254 = arith.constant 0 : index
      %get3A_255 = arith.constant 0 : index
      %get3A_256 = vector.load %arg7[%get3A_254, %get3A_255] : memref<1024x1xf32, #tpu.memory_space<vmem>>, vector<1024x1xf32>
      %select_n3A_257 = arith.select %lt3A_253, %broadcast_in_dim3A_200, %get3A_256 : vector<1024x1xi1>, vector<1024x1xf32>
      %swap3A = arith.constant 0 : index
      %swap3A_258 = arith.constant 0 : index
      %swap3A_259 = vector.load %arg7[%swap3A, %swap3A_258] : memref<1024x1xf32, #tpu.memory_space<vmem>>, vector<1024x1xf32>
      tpu.vector_store %arg7[%swap3A, %swap3A_258], %select_n3A_257 {strides = array<i32>} : memref<1024x1xf32, #tpu.memory_space<vmem>>, vector<1024x1xf32>,
      %get3A_260 = arith.constant 0 : index
      %get3A_261 = arith.constant 0 : index
      %get3A_262 = vector.load %arg8[%get3A_260, %get3A_261] : memref<1024x1xi32, #tpu.memory_space<vmem>>, vector<1024x1xi32>
      %select_n3A_263 = arith.select %lt3A_253, %broadcast_in_dim3A_214, %get3A_262 : vector<1024x1xi1>, vector<1024x1xi32>
      %swap3A_264 = arith.constant 0 : index
      %swap3A_265 = arith.constant 0 : index
      %swap3A_266 = vector.load %arg8[%swap3A_264, %swap3A_265] : memref<1024x1xi32, #tpu.memory_space<vmem>>, vector<1024x1xi32>
      tpu.vector_store %arg8[%swap3A_264, %swap3A_265], %select_n3A_263 {strides = array<i32>} : memref<1024x1xi32, #tpu.memory_space<vmem>>, vector<1024x1xi32>,
    } else {
    }
    %add3A_222 = arith.constant 1 : i32
    %add3A_223 = arith.addi %arg1, %add3A_222 : i32
    %jit3A_224 = arith.constant 1 : i32
    %eq3A_225 = arith.constant 0 : i32
    %eq3A_226 = arith.cmpi eq, %jit3A_224, %eq3A_225 : i32
    %jit3A_227 = arith.constant 1 : i32
    %select_n3A_228 = arith.select %eq3A_226, %jit3A_227, %jit3A_224 : i32
    %rem3A = arith.remsi %add3A_223, %select_n3A_228 : i32
    %ne3A = arith.constant 0 : i32
    %ne3A_229 = arith.cmpi ne, %rem3A, %ne3A : i32
    %lt3A_230 = arith.constant 0 : i32
    %lt3A_231 = arith.cmpi slt, %rem3A, %lt3A_230 : i32
    %lt3A_232 = arith.constant 0 : i32
    %lt3A_233 = arith.cmpi slt, %select_n3A_228, %lt3A_232 : i32
    %ne3A_234 = arith.xori %lt3A_231, %lt3A_233 : i1
    %and3A = arith.andi %ne3A_234, %ne3A_229 : i1
    %add3A_235 = arith.addi %rem3A, %select_n3A_228 : i32
    %select_n3A_236 = arith.select %and3A, %add3A_235, %rem3A : i32
    %eq3A_237 = arith.constant 0 : i32
    %eq3A_238 = arith.cmpi eq, %select_n3A_236, %eq3A_237 : i32
    %ne3A_239 = arith.constant 1 : i32
    %ne3A_240 = arith.cmpi ne, %arg1, %ne3A_239 : i32
    %and3A_241 = arith.andi %eq3A_238, %ne3A_240 : i1
    %convert_element_type3A_242 = arith.extui %and3A_241 : i1 to i32
    %cond3A_243 = arith.constant 0 : i32
    %cond3A_244 = arith.cmpi ne, %convert_element_type3A_242, %cond3A_243 : i32
    scf.if %cond3A_244 {
      %get3A_250 = arith.constant 0 : index
      %get3A_251 = arith.constant 0 : index
      %get3A_252 = vector.load %arg7[%get3A_250, %get3A_251] : memref<1024x1xf32, #tpu.memory_space<vmem>>, vector<1024x1xf32>
      %convert_element_type3A_253 = arith.truncf %get3A_252 : vector<1024x1xf32> to vector<1024x1xbf16>
      %convert_element_type3A_254 = arith.extf %convert_element_type3A_253 : vector<1024x1xbf16> to vector<1024x1xf32>
      %swap3A = arith.constant 0 : index
      %swap3A_255 = arith.constant 0 : index
      %swap3A_256 = vector.load %arg7[%swap3A, %swap3A_255] : memref<1024x1xf32, #tpu.memory_space<vmem>>, vector<1024x1xf32>
      tpu.vector_store %arg7[%swap3A, %swap3A_255], %convert_element_type3A_254 {strides = array<i32>} : memref<1024x1xf32, #tpu.memory_space<vmem>>, vector<1024x1xf32>,
    } else {
    }
    %eq3A_245 = arith.constant 1 : i32
    %eq3A_246 = arith.cmpi eq, %arg1, %eq3A_245 : i32
    %convert_element_type3A_247 = arith.extui %eq3A_246 : i1 to i32
    %cond3A_248 = arith.constant 0 : i32
    %cond3A_249 = arith.cmpi ne, %convert_element_type3A_247, %cond3A_248 : i32
    scf.if %cond3A_249 {
      %get3A_250 = arith.constant 0 : index
      %get3A_251 = arith.constant 0 : index
      %get3A_252 = vector.load %arg8[%get3A_250, %get3A_251] : memref<1024x1xi32, #tpu.memory_space<vmem>>, vector<1024x1xi32>
      %swap3A = arith.constant 0 : index
      %swap3A_253 = arith.constant 0 : index
      %swap3A_254 = vector.load %arg6[%swap3A, %swap3A_253] : memref<1024x1xi32, #tpu.memory_space<vmem>>, vector<1024x1xi32>
      tpu.vector_store %arg6[%swap3A, %swap3A_253], %get3A_252 {strides = array<i32>} : memref<1024x1xi32, #tpu.memory_space<vmem>>, vector<1024x1xi32>,
    } else {
    }
    return
  }
  func.func @transform_0(%arg0: i32, %arg1: i32) -> (i32, i32) {
    %c0_i32 = arith.constant 0 : i32
    %c0_i32_0 = arith.constant 0 : i32
    return %arg0, %c0_i32 : i32, i32
  }
  func.func @transform_1(%arg0: i32, %arg1: i32) -> (i32, i32) {
    %c0_i32 = arith.constant 0 : i32
    %c0_i32_0 = arith.constant 0 : i32
    return %arg0, %c0_i32 : i32, i32
  }
  func.func @transform_2(%arg0: i32, %arg1: i32) -> (i32, i32) {
    %c0_i32 = arith.constant 0 : i32
    %c0_i32_0 = arith.constant 0 : i32
    return %arg1, %c0_i32 : i32, i32
  }
  func.func @transform_3(%arg0: i32, %arg1: i32) -> (i32, i32) {
    %c0_i32 = arith.constant 0 : i32
    %c0_i32_0 = arith.constant 0 : i32
    return %c0_i32, %arg1 : i32, i32
  }
  func.func @transform_4(%arg0: i32, %arg1: i32) -> (i32, i32) {
    %c0_i32 = arith.constant 0 : i32
    %c0_i32_0 = arith.constant 0 : i32
    return %arg0, %c0_i32 : i32, i32
  }
}

</mosaic_0001>

<sc_bundles>
// kernel: kernel.4.cloned.1.call-start
scs
__scs_entry_jumppad:
0x0: {  	(pc) =	sbr.rel $0x88, $3  }
0x1: {  	(tag) =	ssettag $0x0;
	lr =	simm.s32 $0x1  }
0x2: {  	[smem:$0x3F9F] =	sst lr;
	_ =	strace $0xD0000000  }
0x3: {  	_ = 	snop  }
0x4: {  	_ = 	snop  }
0x5: {  	_ = 	snop  }
0x6: {  	_ = 	snop  }
0x7: {  	_ = 	snop  }
__scs_overlays_trampoline_lowered:
0x8: {  	[smem:$0x3FAE] =	sst s0  }
0x9: {  	[smem:$0x3FAF] =	sst s1  }
0xa: {  	[smem:$0x3FB0] =	sst s2  }
0xb: {  	[smem:$0x3FB1] =	sst s3  }
0xc: {  	[smem:$0x3FB2] =	sst s4  }
0xd: {  	[smem:$0x3FB3] =	sst s5  }
0xe: {  	[smem:$0x3FB4] =	sst s6  }
0xf: {  	[smem:$0x3FB5] =	sst s7  }
0x10: {  	[smem:$0x3FB6] =	sst s8  }
0x11: {  	[smem:$0x3FB7] =	sst s9;
	s0 =	simm.s32 @!p0 $0x0  }
0x12: {  	s1 =	sld [smem:$0x3F9D];
	s0 =	simm.s32 @p0 $0x1  }
0x13: {  	[smem:$0x3FB8] =	sst s0;
	s0 =	simm.s32 @!p1 $0x0  }
0x14: {  	s2 =	sld [smem:$0x3F9C];
	s0 =	simm.s32 @p1 $0x1  }
0x15: {  	[smem:$0x3FB9] =	sst s0;
	s0 =	simm.s32 @!p2 $0x0  }
0x16: {  	s3 =	sld [smem:$0x3FDB];
	s0 =	simm.s32 @p2 $0x1  }
0x17: {  	s4 =	simm.s32 $0x1BF5;
	[smem:$0x3FBB] =	sst s0  }
0x18: {  	s0 =	sld [smem:$0x3F9E];
	_ =	swait.ge [sflag:s4], $0x0  }
0x19: {  	s7 =	sld [smem:$0x3F9F]  }
0x1a: {  	s8 =	sadd.s32 $0xFFFFE003, lr  }
0x1b: {  	s9 =	sadd.s32 $0xFFFFFEF7, lr;
	s5 =	simm.s32 $0xFFFFFFFF;
	p2 =	slt.u32 s8, $0xFFFFF086  }
0x1c: {  	p1 =	slt.u32 s9, $0xF7A;
	s5 =	simm.s32 @!p2 $0x0  }
0x1d: {  	s5 =	simm.s32 @p1 $0x1;
	p0 =	seq.s32 s7, s2  }
0x1e: {  	s7 =	smul.u32 @!p0 $0xF7A, s2;
	p2 =	seq.s32 @!p0 s5, $0x0  }
0x1f: {  	s9 =	smul.u32 $0xF7A, s1;
	s8 =	simm.s32 @!p0 $0x1BF5;
	p2 =	por !p2, p0  }
0x20: {  	[sflag:s8] =	ssyncset.s32 @!p0 $0xFFFFF086;
	s6 =	sadd.s32 @!p0 s3, s7;
	s7 =	simm.s32 @!p0 $0x108  }
0x21: {  	s3 =	sadd.s32 s3, s9;
	s6 =	sadd.s32 @!p0 $0x88, s6;
	s7 =	simm.s32 @p2 $0x1082  }
0x22: {  	[simem:s7], [sflag:s8] =	dma.local @!p0 [hbm:s6], $0xF7A  }
0x23: {  	s9 =	sor.u32 $0xD0000000, s2;
	s6 =	simm.s32 $0x108;
	_ =	swait.ge @!p0 [sflag:s8], $0x0  }
0x24: {  	s3 =	sadd.s32 $0x88, s3;
	s6 =	simm.s32 @!p1 $0x1082;
	[sflag:s4] =	ssyncset.s32 $0xFFFFF086  }
0x25: {  	[simem:s6], [sflag:s4] =	dma.local [hbm:s3], $0xF7A  }
0x26: {  	[smem:$0x3F9F] =	sst s1;
	(tag) =	ssettag s2;
	_ =	strace s9  }
0x27: {  	s1 =	sld [smem:$0x3FAF]  }
0x28: {  	s2 =	sld [smem:$0x3FB0]  }
0x29: {  	s4 =	sld [smem:$0x3FB2]  }
0x2a: {  	p0 =	seq.s32 s5, $0x0;
	s5 =	sld [smem:$0x3FB3]  }
0x2b: {  	s6 =	sld [smem:$0x3FB4]  }
0x2c: {  	s7 =	sld [smem:$0x3FB5]  }
0x2d: {  	s3 =	simm.s32 $0x108;
	s8 =	sld [smem:$0x3FB6]  }
0x2e: {  	s3 =	simm.s32 @!p0 $0x1082;
	s9 =	sld [smem:$0x3FB7]  }
0x2f: {  	lr =	sadd.s32 s0, s3;
	s0 =	sld [smem:$0x3FAE]  }
0x30: {  	s3 =	sld [smem:$0x3FB1]  }
0x31: {  	[smem:$0x3FBA] =	sst s10  }
0x32: {  	s10 =	sld [smem:$0x3FB8];
	_ =	sdelay $0x3  }
0x33: {  	p0 =	seq.s32 s10, $0x1;
	s10 =	sld [smem:$0x3FBA];
	_ =	sdelay $0x3  }
0x34: {  	[smem:$0x3FBA] =	sst s10  }
0x35: {  	s10 =	sld [smem:$0x3FB9];
	_ =	sdelay $0x3  }
0x36: {  	p1 =	seq.s32 s10, $0x1;
	s10 =	sld [smem:$0x3FBA];
	_ =	sdelay $0x3  }
0x37: {  	[smem:$0x3FBA] =	sst s10  }
0x38: {  	s10 =	sld [smem:$0x3FBB]  }
0x39: {  	_ = 	snop;
	(pc) =	sbr.ind lr, $3  }
0x3a: {  	_ = 	snop  }
0x3b: {  	_ = 	snop  }
0x3c: {  	p2 =	seq.s32 s10, $0x1;
	s10 =	sld [smem:$0x3FBA]  }
0x3d: {  	_ =	shalt  }
0x3e: {  	_ =	shalt  }
0x3f: {  	_ =	shalt  }
0x40: {  	_ =	shalt  }
0x41: {  	_ =	shalt  }
0x42: {  	_ =	shalt  }
0x43: {  	_ =	shalt  }
0x44: {  	_ =	shalt  }
0x45: {  	_ =	shalt  }
0x46: {  	_ =	shalt  }
0x47: {  	_ =	shalt  }
0x48: {  	_ =	shalt  }
0x49: {  	_ =	shalt  }
0x4a: {  	_ =	shalt  }
0x4b: {  	_ =	shalt  }
0x4c: {  	_ =	shalt  }
0x4d: {  	_ =	shalt  }
0x4e: {  	_ =	shalt  }
0x4f: {  	_ =	shalt  }
0x50: {  	_ =	shalt  }
0x51: {  	_ =	shalt  }
0x52: {  	_ =	shalt  }
0x53: {  	_ =	shalt  }
0x54: {  	_ =	shalt  }
0x55: {  	_ =	shalt  }
0x56: {  	_ =	shalt  }
0x57: {  	_ =	shalt  }
0x58: {  	_ =	shalt  }
0x59: {  	_ =	shalt  }
0x5a: {  	_ =	shalt  }
0x5b: {  	_ =	shalt  }
0x5c: {  	_ =	shalt  }
0x5d: {  	_ =	shalt  }
0x5e: {  	_ =	shalt  }
0x5f: {  	_ =	shalt  }
0x60: {  	_ =	shalt  }
0x61: {  	_ =	shalt  }
0x62: {  	_ =	shalt  }
0x63: {  	_ =	shalt  }
0x64: {  	_ =	shalt  }
0x65: {  	_ =	shalt  }
0x66: {  	_ =	shalt  }
0x67: {  	_ =	shalt  }
0x68: {  	_ =	shalt  }
0x69: {  	_ =	shalt  }
0x6a: {  	_ =	shalt  }
0x6b: {  	_ =	shalt  }
0x6c: {  	_ =	shalt  }
0x6d: {  	_ =	shalt  }
0x6e: {  	_ =	shalt  }
0x6f: {  	_ =	shalt  }
0x70: {  	_ =	shalt  }
0x71: {  	_ =	shalt  }
0x72: {  	_ =	shalt  }
0x73: {  	_ =	shalt  }
0x74: {  	_ =	shalt  }
0x75: {  	_ =	shalt  }
0x76: {  	_ =	shalt  }
0x77: {  	_ =	shalt  }
0x78: {  	_ =	shalt  }
0x79: {  	_ =	shalt  }
0x7a: {  	_ =	shalt  }
0x7b: {  	_ =	shalt  }
0x7c: {  	_ =	shalt  }
0x7d: {  	_ =	shalt  }
0x7e: {  	_ =	shalt  }
0x7f: {  	_ =	shalt  }
0x80: {  	_ =	shalt  }
0x81: {  	_ =	shalt  }
0x82: {  	_ =	shalt  }
0x83: {  	_ =	shalt  }
0x84: {  	_ =	shalt  }
0x85: {  	_ =	shalt  }
0x86: {  	_ =	shalt  }
0x87: {  	_ =	shalt  }
.Lfunc_end0:
.L_simem_size_0:
called_computation_lowered:
.L_overlay_start_0:
0x88: {  	s2 =	sld [smem:$0x3FD9]  }
0x89: {  	s3 =	sld [smem:$0x3FFE];
	_ =	sdelay $0x1  }
0x8a: {  	s1 =	srdreg.scid  }
0x8b: {  	s0 =	sand.u32 $0x1, s1  }
0x8c: {  	s14 =	sshll.u32 s0, $0xA;
	s2 =	sadd.s32 s3, s2  }
0x8d: {  	s2 =	sadd.s32 s2, s14  }
0x8e: {  	[smem:$0x3FC6] =	sst s2  }
0x8f: {  	_ = 	snop  }
0x90: {  	s2 =	sld [smem:$0x3FD0];
	_ =	sdelay $0x2  }
0x91: {  	s15 =	simm.s32 $0xA;
	s4 =	simm.s32 $0x10  }
0x92: {  	[smem:s4], [sflag:s15] =	dma.local [hbm:s2], $0x1  }
0x93: {  	_ =	swait.eq [sflag:s15], $0x1  }
0x94: {  	[sflag:s15] =	ssyncset.done $0x0  }
0x95: {  	s16 =	sld [smem:$0x10];
	[sflag:s15] =	ssyncadd.s32 $0xFFFFFFFF  }
0x96: {  	s17 =	sld [smem:$0x11];
	(tm) =	ssettm $0x1  }
0x97: {  	s18 =	sld [smem:$0x3FFB];
	_ =	sdelay $0x3  }
0x98: {  	_ =	strace s18  }
0x99: {  	s4 =	sld [smem:$0x3FFC];
	_ =	sdelay $0x3  }
0x9a: {  	_ =	strace s4  }
0x9b: {  	s4 =	sld [smem:$0x3FFD];
	_ =	sdelay $0x3  }
0x9c: {  	_ =	strace s4  }
0x9d: {  	_ =	strace $0x8FFFFFFF  }
0x9e: {  	s19 =	sld [smem:$0x3FDB];
	_ =	sdelay $0x1  }
0x9f: {  	s5 =	simm.s32 $_scs_section_size  }
0xa0: {  	s6 =	simm.s32 $_size__tile_overlayer_lowered;
	s7 =	simm.s32 $_tile_overlayer_lowered  }
0xa1: {  	s22 =	simm.s32 $0x1BFF;
	s21 =	sshll.u32 s7, $0x1;
	s4 =	sadd.s32 s5, s19  }
0xa2: {  	s8 =	simm.s32 $0x0;
	s20 =	sshll.u32 s6, $0x1;
	s6 =	sadd.s32 s21, s4  }
0xa3: {  	[timem:s8], [sflag:s22] =	dma.local [hbm:s6], s20  }
0xa4: {  	_ =	swait.ge [sflag:s22], s20  }
0xa5: {  	s5 =	ssub.s32 $0x0, s20;
	[sflag:s22] =	ssyncset.done $0x0  }
0xa6: {  	[sflag:s22] =	ssyncadd.s32 s5;
	_ =	sdelay $0x1  }
0xa7: {  	s23 =	simm.s32 $0x1B8B  }
0xa8: {  	_ =	swait.ge [sflag:s23], $0x1  }
0xa9: {  	[sflag:s23] =	ssyncset.done $0x0  }
0xaa: {  	s25 =	simm.s32 $0x1B8E;
	s24 =	sld [smem:$0x3FFE];
	[sflag:s23] =	ssyncadd.s32 $0xFFFFFFFF  }
0xab: {  	s26 =	simm.s32 $execute0_lowered;
	[smem:$0x3FD2] =	sst s25  }
0xac: {  	s6 =	sshll.u32 s26, $0x1;
	_ =	strace $0x80000046;
	[dreg:$0x1] =	wrdreg $0xFFFFFFFF  }
0xad: {  	s28 =	simm.s32 $_size_execute0_lowered;
	s4 =	sadd.s32 s4, s6;
	[dreg:$0x0] =	wrdreg $0x0  }
0xae: {  	s6 =	sshll.u32 s28, $0x1;
	[dreg:$0x2] =	wrdreg s4  }
0xaf: {  	[dreg:$0x3] =	wrdreg s6  }
0xb0: {  	[dreg:$0x4] =	wrdreg $0xC0  }
0xb1: {  	_ =	task [dreg:s8], $0x5FFFF  }
0xb2: {  	[dreg:$0x1] =	wrdreg $0xFFFFFFFF  }
0xb3: {  	[dreg:$0x0] =	wrdreg $0x60  }
0xb4: {  	[dreg:$0x2] =	wrdreg s24  }
0xb5: {  	[dreg:$0x3] =	wrdreg s17  }
0xb6: {  	[dreg:$0x4] =	wrdreg s16  }
0xb7: {  	[dreg:$0x5] =	wrdreg $0x9  }
0xb8: {  	_ =	task.clear_ibuf [dreg:s8], $0x6FFFF;
	_ =	strace $0x90000046  }
0xb9: {  	s29 =	simm.s32 $0x9;
	_ =	strace $0x80000048  }
0xba: {  	_ =	swait.ge [sflag:s29], $0x1  }
0xbb: {  	[sflag:s29] =	ssyncadd.s32 $0xFFFFFFFF  }
0xbc: {  	_ =	strace $0x90000048  }
0xbd: {  	_ =	sfence  }
0xbe: {  	s30 =	sld [smem:$0x0];
	_ =	sdelay $0x2  }
0xbf: {  	s31 =	sshll.u32 s1, $0xD;
	s1 =	sshrl.u32 s1, $0x2  }
0xc0: {  	s3 =	sand.u32 $0x4000, s31;
	s1 =	sadd.s32 s1, s30  }
0xc1: {  	s0 =	sor.u32 s3, s0;
	s1 =	sshll.u32 s1, $0x11  }
0xc2: {  	s0 =	sor.u32 s1, s0  }
0xc3: {  	s0 =	sadd.s32 $0x8F2B, s0  }
0xc4: {  	[sflag:s0] =	ssyncadd.remote.s32 $0x1  }
0xc5: {  	_ =	sfence.sel $0xFFFF  }
0xc6: {  	[dreg:$0x0] =	wrdreg $0xFFFFFFFF;
	(pc) =	sbr.abs _section_cstart, $3  }
0xc7: {  	[dreg:$0x1] =	wrdreg $0xFFFFFFFF  }
0xc8: {  	_ =	task.clear_ibuf [dreg:s8], $0x2FFFF;
	_ =	strace $0x9FFFFFFF  }
0xc9: {  	(tm) =	ssettm $0x7FFFFFFF  }
tec
execute0_lowered:
.L_overlay_start_1:
0x0: {  	(tag) =	ssettag $0x1  }
0x1: {  	s1 =	rddreg [dreg:$0x0]  }
0x2: {  	s2 =	srdreg.scid;
	s4 =	rddreg [dreg:$0x1]  }
0x3: {  	s0 =	stileid.u32;
	s8 =	rddreg [dreg:$0x2];
	s6 =	sand.u32 $0x1, s2  }
0x4: {  	s3 =	simm.s32 $0x0;
	s5 =	sshll.u32 s0, $0xA;
	s7 =	sshll.u32 s6, $0x9  }
0x5: {  	[smem:$0x7FF] =	sst s3;
	s9 =	sor.u32 s7, s5  }
0x6: {  	s2 =	rddreg [dreg:$0x3];
	_ =	strace $0x80000047;
	s5 =	sshrl.u32 s9, $0x3  }
0x7: {  	s10 =	ssub.s32 $0x2, s6;
	s5 =	sadd.s32 s4, s5;
	s4 =	simm.s32 $0x2  }
0x8: {  	[tilespmem:s3], [sflag:$0x2] =	stream.linear.gather [hbm4b:s5+s3], $0x200, $0x38;
	[tilespmem:$0x8200] =	vst v63  }
0x9: {  	s11 =	sshrl.u32 s10, $0x1;
	_ =	swait.ge [sflag:s4], $0x200  }
0xa: {  	s6 =	simm.s32 $0x200;
	s10 =	ssub.s32 s10, s11;
	[sflag:s4] =	ssyncset.done $0x0  }
0xb: {  	s7 =	simm.s32 $0x1;
	s31 =	smax.u32 s10, $0x1;
	[sflag:s4] =	ssyncadd.s32 $0xFFFFFE00  }
0xc: {  	[tilespmem:s6], [sflag:$0x1] =	stream.indirect.gather [hbm4b:s1+s6], $0x40, s3, s6, $0xb8;
	[tilespmem:$0x8200] =	vst v63  }
0xd: {  	p0 =	sne.s32 s31, $0x1;
	_ =	swait.ge [sflag:s7], $0x8000  }
.Ltmp0:
0xe: {  	s9 =	sshll.u32 s9, $0x3;
	[sflag:s7] =	ssyncset.done $0x0;
	(pc) =	sbr.rel @!p0 .LBB2_2-.Ltmp0, $4  }
0xf: {  	s8 =	sadd.s32 s8, s9;
	[sflag:s7] =	ssyncadd.s32 $0xFFFF8000  }
0x10: {  	[hbm4b:s8+s3] =	stream.linear.scatter [tilespmem:s6], [sflag:$0x2], $0x8000, $0x38;
	[tilespmem:$0x8200] =	vst v63  }
0x11: {  	_ =	swait.ge [sflag:s4], $0x8000  }
0x12: {  	s9 =	sadd.s32 $0xFFFFFFFF, s31;
	[sflag:s4] =	ssyncset.done $0x0  }
.LBB2_1:
0x13: {  	p0 =	sne.s32 s9, $0x1;
	s9 =	sadd.s32 $0xFFFFFFFF, s9;
	[sflag:s4] =	ssyncadd.s32 $0xFFFF8000  }
0x14: {  	[tilespmem:s3], [sflag:$0x2] =	stream.linear.gather [hbm4b:s5+s3], $0x200, $0x38;
	[tilespmem:$0x8200] =	vst v63  }
0x15: {  	_ =	swait.ge [sflag:s4], $0x200  }
0x16: {  	[sflag:s4] =	ssyncset.done $0x0  }
0x17: {  	[sflag:s4] =	ssyncadd.s32 $0xFFFFFE00  }
0x18: {  	[tilespmem:s6], [sflag:$0x1] =	stream.indirect.gather [hbm4b:s1+s6], $0x40, s3, s6, $0xb8;
	[tilespmem:$0x8200] =	vst v63  }
0x19: {  	_ =	swait.ge [sflag:s7], $0x8000  }
.Ltmp1:
0x1a: {  	[sflag:s7] =	ssyncset.done $0x0;
	(pc) =	sbr.rel @p0 .LBB2_1-.Ltmp1, $4  }
0x1b: {  	[sflag:s7] =	ssyncadd.s32 $0xFFFF8000  }
0x1c: {  	[hbm4b:s8+s3] =	stream.linear.scatter [tilespmem:s6], [sflag:$0x2], $0x8000, $0x38;
	[tilespmem:$0x8200] =	vst v63  }
0x1d: {  	_ =	swait.ge [sflag:s4], $0x8000  }
0x1e: {  	[sflag:s4] =	ssyncset.done $0x0  }
.LBB2_2:
0x1f: {  	[sflag:s4] =	ssyncadd.s32 $0xFFFF8000  }
0x20: {  	_ =	sfence.sel $0x180000  }
0x21: {  	[bflag:$0x0] =	sbarrier.arrive $0xFFFF  }
0x22: {  	p0 =	sne.s32 s0, $0x0;
	_ =	strace $0x90000047  }
0x23: {  	s0 =	sadd.s32 @!p0 $0x100000, s2;
	[bflag:$0x2] =	sbarrier.arrive $0xFFFF  }
0x24: {  	[sflag:s0] =	ssyncadd.tile.s32 @!p0 $0x1;
	_ =	shalt  }
.Lfunc_end2:
_tile_overlayer_lowered:
.L_overlay_start_2:
0x25: {  	(tag) =	ssettag $0x2  }
0x26: {  	s0 =	rddreg [dreg:$0x0];
	s2 =	stileid.u32  }
0x27: {  	s1 =	rddreg [dreg:$0x1];
	p0 =	sne.s32 s2, $0x0  }
0x28: {  	s3 =	rddreg [dreg:$0x2];
	[bflag:$0x3] =	sbarrier.arrive $0xFFFF;
	s2 =	simm.s32 @!p0 $0x1C02  }
0x29: {  	[timem:s3], [sflag:s2] =	dma.local @!p0 [hbm:s0], s1  }
0x2a: {  	s0 =	simm.s32 @!p0 $0x2  }
0x2b: {  	_ =	swait.ge @!p0 [sflag:s0], s1  }
0x2c: {  	s1 =	ssub.s32 @!p0 $0x0, s1;
	[sflag:s0] =	ssyncset.done @!p0 $0x0  }
0x2d: {  	[sflag:s0] =	ssyncadd.s32 @!p0 s1  }
0x2e: {  	[bflag:$0x3] =	sbarrier.arrive $0xFFFF  }
0x2f: {  	_ =	shalt  }

</sc_bundles>
